<compile_context>
chip_gen: v7x
topology: tpu7x:2x2x1
jax: 0.10.2.dev20260603
libtpu: 0.0.44.dev20260713+nightly
codegen_flags: <defaults>
</compile_context>

<pallas_src>
import functools

import jax
import jax.numpy as jnp
from jax import lax
from jax.experimental import pallas as pl
from jax.experimental.pallas import tpu as pltpu
from jax.experimental.pallas import tpu_sc as plsc

N = 512
NAME_DIM = 64
TYPE_DIM = 16
IN_DIM = 112
HID = 128
NCLS = 8

_SC_NC = 1
_SC_NS = 16
_SC_NW = _SC_NC * _SC_NS
_ROWS_PER_W = N // _SC_NW


def _sc_gather_body(name_emb, name_idx, name_out, nidx_v, nrows_v, sem):
    wid = lax.axis_index("s") * _SC_NC + lax.axis_index("c")
    base = wid * _ROWS_PER_W
    pltpu.sync_copy(name_idx.at[pl.ds(base, _ROWS_PER_W)], nidx_v)
    pltpu.async_copy(name_emb.at[nidx_v], nrows_v, sem).wait()
    pltpu.sync_copy(nrows_v, name_out.at[pl.ds(base, _ROWS_PER_W)])


@functools.cache
def _sc_gather():
    return pl.kernel(
        _sc_gather_body,
        out_type=jax.ShapeDtypeStruct((N, NAME_DIM), jnp.float32),
        mesh=plsc.VectorSubcoreMesh(
            core_axis_name="c", subcore_axis_name="s", num_cores=_SC_NC),
        scratch_types=[
            pltpu.VMEM((_ROWS_PER_W,), jnp.int32),
            pltpu.VMEM((_ROWS_PER_W, NAME_DIM), jnp.float32),
            pltpu.SemaphoreType.DMA,
        ],
        compiler_params=pltpu.CompilerParams(use_tc_tiling_on_sc=False),
    )


def _tc_body(adj_ref, nrows_ref, tidx_ref, temb_ref, beh_ref,
             w0_ref, b0_ref, w1_ref, b1_ref,
             wout_ref, bout_ref, pred_ref, adj_out_ref):
    adj = adj_ref[...]
    adj_out_ref[...] = adj
    w = jnp.where(adj > 0.0, adj, 0.0)
    deg = jnp.maximum(jnp.sum(w, axis=0, keepdims=True), 1e-6)
    deg_col = deg.T

    dn = (((0,), (0,)), ((), ()))

    oh = (tidx_ref[...] ==
          lax.broadcasted_iota(jnp.int32, (N, TYPE_DIM), 1)).astype(jnp.float32)
    trows = jnp.dot(oh, temb_ref[...], preferred_element_type=jnp.float32)
    x = jnp.concatenate([nrows_ref[...], trows, beh_ref[...]], axis=-1)

    t1 = lax.dot_general(w, x, dn, preferred_element_type=jnp.float32)
    h1 = jnp.maximum(
        jnp.dot(t1 / deg_col, w0_ref[...],
                preferred_element_type=jnp.float32) + b0_ref[...], 0.0)
    t2 = lax.dot_general(w, h1, dn,
                         preferred_element_type=jnp.float32)
    h2 = jnp.maximum(
        jnp.dot(t2 / deg_col, w1_ref[...],
                preferred_element_type=jnp.float32) + b1_ref[...], 0.0)
    g = jnp.mean(h2, axis=0, keepdims=True)
    pred_ref[...] = jnp.dot(g, wout_ref[...],
                            preferred_element_type=jnp.float32) + bout_ref[...]


def kernel(x_tensor, adj_tensor, name_idx, type_idx, behavior_feats,
           name_emb, type_emb, W0, b0, W1, b1, Wout, bout):
    adj = adj_tensor.reshape(N, N)

    name_rows = _sc_gather()(name_emb, name_idx)

    pred, adj_out = pl.pallas_call(
        _tc_body,
        out_shape=(
            jax.ShapeDtypeStruct((1, NCLS), jnp.float32),
            jax.ShapeDtypeStruct((N, N), jnp.float32),
        ),
    )(adj, name_rows, type_idx.reshape(N, 1), type_emb, behavior_feats,
      W0, b0.reshape(1, HID), W1, b1.reshape(1, HID),
      Wout, bout.reshape(1, NCLS))

    return (pred, adj_out)

# --- scband reference (transcript-rebuilt; emitter-appended) ---
"""Pipeline reference for scband-gcnwith-behavior-wrapper-14929306321741 (READ-ONLY COPY).

The authoritative reference and input builder live on the scoring server;
editing this copy changes nothing except your own understanding.
"""

import jax, jax.numpy as jnp
import numpy as np

N = 512
NAME_VOCAB = 5000
TYPE_VOCAB = 16
NAME_DIM = 64
TYPE_DIM = 16
BEH_DIM = 32
IN_DIM = NAME_DIM + TYPE_DIM + BEH_DIM  # 112
HID = 128
NCLS = 8


def setup_inputs(seed: int = 0) -> dict:
    key = jax.random.key(seed)
    ks = jax.random.split(key, 13)
    x_tensor = jax.random.normal(ks[0], (N, IN_DIM), dtype=jnp.float32)
    adj_tensor = jax.random.uniform(ks[1], (1, N, N), dtype=jnp.float32)
    # cg_dict contents (constants baked into the wrapper at __init__)
    name_idx = jax.random.randint(ks[2], (N,), 0, NAME_VOCAB, dtype=jnp.int64 if jax.config.jax_enable_x64 else jnp.int32).astype(jnp.int32)
    type_idx = jax.random.randint(ks[3], (N,), 0, TYPE_VOCAB).astype(jnp.int32)
    behavior_feats = jax.random.normal(ks[4], (N, BEH_DIM), dtype=jnp.float32)
    # base_model (GCNWithBehavior) parameters
    name_emb = jax.random.normal(ks[5], (NAME_VOCAB, NAME_DIM), dtype=jnp.float32) * 0.05
    type_emb = jax.random.normal(ks[6], (TYPE_VOCAB, TYPE_DIM), dtype=jnp.float32) * 0.05
    W0 = jax.random.normal(ks[7], (IN_DIM, HID), dtype=jnp.float32) * (1.0 / np.sqrt(IN_DIM))
    b0 = jnp.zeros((HID,), dtype=jnp.float32)
    W1 = jax.random.normal(ks[8], (HID, HID), dtype=jnp.float32) * (1.0 / np.sqrt(HID))
    b1 = jnp.zeros((HID,), dtype=jnp.float32)
    Wout = jax.random.normal(ks[9], (HID, NCLS), dtype=jnp.float32) * (1.0 / np.sqrt(HID))
    bout = jnp.zeros((NCLS,), dtype=jnp.float32)
    return {
        'x_tensor': x_tensor, 'adj_tensor': adj_tensor,
        'name_idx': name_idx, 'type_idx': type_idx, 'behavior_feats': behavior_feats,
        'name_emb': name_emb, 'type_emb': type_emb,
        'W0': W0, 'b0': b0, 'W1': W1, 'b1': b1, 'Wout': Wout, 'bout': bout,
    }


def reference(x_tensor, adj_tensor, name_idx, type_idx, behavior_feats,
              name_emb, type_emb, W0, b0, W1, b1, Wout, bout):
    # --- wrapper logic: densify adj -> edge list ---
    adj = adj_tensor
    if adj.ndim == 3:
        adj = jnp.squeeze(adj, axis=0)
    n = adj.shape[0]
    flat = jnp.arange(n * n)
    src = flat // n
    dst = flat % n
    edge_weight = jnp.where(adj > 0, adj, jnp.zeros_like(adj)).reshape(-1)
    # --- base_model (GCNWithBehavior): build node features from cg_dict ---
    x = jnp.concatenate([
        jnp.take(name_emb, name_idx, axis=0),
        jnp.take(type_emb, type_idx, axis=0),
        behavior_feats,
    ], axis=-1)

    deg = jax.ops.segment_sum(edge_weight, dst, num_segments=N)
    deg = jnp.maximum(deg, 1e-6)

    def gcn_layer(h, W, b):
        msg = jnp.take(h, src, axis=0) * edge_weight[:, None]
        agg = jax.ops.segment_sum(msg, dst, num_segments=N)
        agg = agg / deg[:, None]
        return jax.nn.relu(agg @ W + b)

    h = gcn_layer(x, W0, b0)
    h = gcn_layer(h, W1, b1)
    # batch is all zeros -> single-graph global mean pool
    g = jnp.mean(h, axis=0, keepdims=True)
    pred = g @ Wout + bout
    return (pred, adj)

if __name__ == "__main__":
    import jax
    _d = setup_inputs()
    print(jax.jit(kernel)(*tuple(_d.values())))

</pallas_src>

<mosaic_0001>
#map = affine_map<(d0, d1) -> (0, 0)>
#map1 = affine_map<(d0, d1) -> (0)>
module attributes {stable_mosaic.version = 14 : i64} {
  func.func @_sc_gather_body(%arg0: i32, %arg1: i32, %arg2: memref<5000x64xf32, #tpu.memory_space<hbm>>, %arg3: memref<512xi32, #tpu.memory_space<hbm>>, %arg4: memref<512x64xf32, #tpu.memory_space<hbm>>, %arg5: memref<32xi32, #tpu.memory_space<vmem>>, %arg6: memref<32x64xf32, #tpu.memory_space<vmem>>, %arg7: memref<!tpu.dma_semaphore, #tpu.memory_space<semaphore_mem>>) attributes {dimension_semantics = [#tpu.dimension_semantics<core_parallel>, #tpu.dimension_semantics<subcore_parallel>], iteration_bounds = array<i64: 1, 16>, scalar_prefetch = 0 : i64, scratch_operands = 3 : i64, tpu.core_type = #tpu.core_type<sc_vector_subcore>, window_params = [{transform_indices = #map}, {transform_indices = #map1}, {transform_indices = #map}]} {
    %mul3A = arith.constant 1 : i32
    %mul3A_0 = arith.muli %arg1, %mul3A : i32
    %add3A = arith.addi %mul3A_0, %arg0 : i32
    %mul3A_1 = arith.constant 32 : i32
    %mul3A_2 = arith.muli %add3A, %mul3A_1 : i32
    "tpu.region"() ({
      %run_scoped3A = tpu.sem_alloc : memref<!tpu.dma_semaphore, #tpu.memory_space<semaphore_mem>>
      %dma_start3A_7 = tpu.memref_slice %arg3[%mul3A_2] : memref<512xi32, #tpu.memory_space<hbm>> -> memref<32xi32, #tpu.memory_space<hbm>>
      %dma_start3A_8 = tpu.memref_slice %arg3[%mul3A_2] : memref<512xi32, #tpu.memory_space<hbm>> -> memref<32xi32, #tpu.memory_space<hbm>>
      tpu.enqueue_dma source(%dma_start3A_8 : memref<32xi32, #tpu.memory_space<hbm>>) target(%arg5 : memref<32xi32, #tpu.memory_space<vmem>>) target_semaphore(%run_scoped3A : memref<!tpu.dma_semaphore, #tpu.memory_space<semaphore_mem>>)
      %dma_wait3A_9 = tpu.memref_slice %arg3[%mul3A_2] : memref<512xi32, #tpu.memory_space<hbm>> -> memref<32xi32, #tpu.memory_space<hbm>>
      %dma_wait3A_10 = tpu.memref_slice %arg3[%mul3A_2] : memref<512xi32, #tpu.memory_space<hbm>> -> memref<32xi32, #tpu.memory_space<hbm>>
      tpu.wait_dma2 semaphore(%run_scoped3A : memref<!tpu.dma_semaphore, #tpu.memory_space<semaphore_mem>>) src(%dma_wait3A_10 : memref<32xi32, #tpu.memory_space<hbm>>) dst(%arg5 : memref<32xi32, #tpu.memory_space<vmem>>)
      tpu.yield
    }) : () -> ()
    %dma_start3A = arith.constant 0 : i32
    %dma_start3A_3 = arith.constant 0 : i32
    %dma_start3A_4 = tpu.memref_slice %arg2[%dma_start3A, %dma_start3A_3] : memref<5000x64xf32, #tpu.memory_space<hbm>> -> memref<5000x64xf32, #tpu.memory_space<hbm>>
    tpu.enqueue_indirect_dma source(%dma_start3A_4 : memref<5000x64xf32, #tpu.memory_space<hbm>>) target(%arg6 : memref<32x64xf32, #tpu.memory_space<vmem>>) offsets(%arg5 : memref<32xi32, #tpu.memory_space<vmem>>) semaphore(%arg7 : memref<!tpu.dma_semaphore, #tpu.memory_space<semaphore_mem>>)
    %dma_wait3A = arith.constant 0 : i32
    %dma_wait3A_5 = arith.constant 0 : i32
    %dma_wait3A_6 = tpu.memref_slice %arg2[%dma_wait3A, %dma_wait3A_5] : memref<5000x64xf32, #tpu.memory_space<hbm>> -> memref<5000x64xf32, #tpu.memory_space<hbm>>
    tpu.wait_indirect_dma semaphore(%arg7 : memref<!tpu.dma_semaphore, #tpu.memory_space<semaphore_mem>>) src(%dma_wait3A_6 : memref<5000x64xf32, #tpu.memory_space<hbm>>) dst(%arg6 : memref<32x64xf32, #tpu.memory_space<vmem>>)
    "tpu.region"() ({
      %run_scoped3A = tpu.sem_alloc : memref<!tpu.dma_semaphore, #tpu.memory_space<semaphore_mem>>
      %dma_start3A_7 = arith.constant 0 : i32
      %dma_start3A_8 = tpu.memref_slice %arg4[%mul3A_2, %dma_start3A_7] : memref<512x64xf32, #tpu.memory_space<hbm>> -> memref<32x64xf32, #tpu.memory_space<hbm>>
      %dma_start3A_9 = arith.constant 0 : i32
      %dma_start3A_10 = tpu.memref_slice %arg4[%mul3A_2, %dma_start3A_9] : memref<512x64xf32, #tpu.memory_space<hbm>> -> memref<32x64xf32, #tpu.memory_space<hbm>>
      tpu.enqueue_dma source(%arg6 : memref<32x64xf32, #tpu.memory_space<vmem>>) target(%dma_start3A_10 : memref<32x64xf32, #tpu.memory_space<hbm>>) target_semaphore(%run_scoped3A : memref<!tpu.dma_semaphore, #tpu.memory_space<semaphore_mem>>)
      %dma_wait3A_11 = arith.constant 0 : i32
      %dma_wait3A_12 = tpu.memref_slice %arg4[%mul3A_2, %dma_wait3A_11] : memref<512x64xf32, #tpu.memory_space<hbm>> -> memref<32x64xf32, #tpu.memory_space<hbm>>
      %dma_wait3A_13 = arith.constant 0 : i32
      %dma_wait3A_14 = tpu.memref_slice %arg4[%mul3A_2, %dma_wait3A_13] : memref<512x64xf32, #tpu.memory_space<hbm>> -> memref<32x64xf32, #tpu.memory_space<hbm>>
      tpu.wait_dma2 semaphore(%run_scoped3A : memref<!tpu.dma_semaphore, #tpu.memory_space<semaphore_mem>>) src(%arg6 : memref<32x64xf32, #tpu.memory_space<vmem>>) dst(%dma_wait3A_14 : memref<32x64xf32, #tpu.memory_space<hbm>>)
      tpu.yield
    }) : () -> ()
    return
  }
}

module attributes {stable_mosaic.version = 14 : i64} {
  func.func @_tc_body(%arg0: memref<512x512xf32, #tpu.memory_space<vmem>>, %arg1: memref<512x64xf32, #tpu.memory_space<vmem>>, %arg2: memref<512x1xi32, #tpu.memory_space<vmem>>, %arg3: memref<16x16xf32, #tpu.memory_space<vmem>>, %arg4: memref<512x32xf32, #tpu.memory_space<vmem>>, %arg5: memref<112x128xf32, #tpu.memory_space<vmem>>, %arg6: memref<1x128xf32, #tpu.memory_space<vmem>>, %arg7: memref<128x128xf32, #tpu.memory_space<vmem>>, %arg8: memref<1x128xf32, #tpu.memory_space<vmem>>, %arg9: memref<128x8xf32, #tpu.memory_space<vmem>>, %arg10: memref<1x8xf32, #tpu.memory_space<vmem>>, %arg11: memref<1x8xf32, #tpu.memory_space<vmem>>, %arg12: memref<512x512xf32, #tpu.memory_space<vmem>>) attributes {dimension_semantics = [], scalar_prefetch = 0 : i64, scratch_operands = 0 : i64, tpu.core_type = #tpu.core_type<tc>} {
    %get3A = arith.constant 0 : index
    %get3A_0 = arith.constant 0 : index
    %get3A_1 = vector.load %arg0[%get3A, %get3A_0] : memref<512x512xf32, #tpu.memory_space<vmem>>, vector<512x512xf32>
    %swap3A = arith.constant 0 : index
    %swap3A_2 = arith.constant 0 : index
    %swap3A_3 = vector.load %arg12[%swap3A, %swap3A_2] : memref<512x512xf32, #tpu.memory_space<vmem>>, vector<512x512xf32>
    tpu.vector_store %arg12[%swap3A, %swap3A_2], %get3A_1 {strides = array<i32>} : memref<512x512xf32, #tpu.memory_space<vmem>>, vector<512x512xf32>,
    %gt3A = arith.constant 0.000000e+00 : f32
    %gt3A_4 = vector.broadcast %gt3A : f32 to vector<512x512xf32>
    %gt3A_5 = arith.cmpf ogt, %get3A_1, %gt3A_4 : vector<512x512xf32>
    %jit3A = arith.constant 0.000000e+00 : f32
    %broadcast_in_dim3A = vector.broadcast %jit3A : f32 to vector<512x512xf32>
    %select_n3A = arith.select %gt3A_5, %get3A_1, %broadcast_in_dim3A : vector<512x512xi1>, vector<512x512xf32>
    %reduce_sum3A = arith.constant dense<0.000000e+00> : vector<512xf32>
    %reduce_sum3A_6 = vector.multi_reduction <add>, %select_n3A, %reduce_sum3A [0] : vector<512x512xf32> to vector<512xf32>
    %broadcast_in_dim3A_7 = vector.shape_cast %reduce_sum3A_6 : vector<512xf32> to vector<1x512xf32>
    %max3A = arith.constant 9.99999997E-7 : f32
    %max3A_8 = vector.broadcast %max3A : f32 to vector<1x512xf32>
    %max3A_9 = arith.maximumf %broadcast_in_dim3A_7, %max3A_8 : vector<1x512xf32>
    %transpose3A = tpu.transpose %max3A_9, [1, 0] : vector<1x512xf32> -> vector<512x1xf32>
    %get3A_10 = arith.constant 0 : index
    %get3A_11 = arith.constant 0 : index
    %get3A_12 = vector.load %arg2[%get3A_10, %get3A_11] : memref<512x1xi32, #tpu.memory_space<vmem>>, vector<512x1xi32>
    %iota3A = tpu.iota {dimensions = array<i32: 1>} : vector<512x16xi32>
    %eq3A = vector.broadcast %get3A_12 : vector<512x1xi32> to vector<512x16xi32>
    %eq3A_13 = arith.cmpi eq, %eq3A, %iota3A : vector<512x16xi32>
    %convert_element_type3A = arith.extui %eq3A_13 : vector<512x16xi1> to vector<512x16xi32>
    %convert_element_type3A_14 = arith.sitofp %convert_element_type3A : vector<512x16xi32> to vector<512x16xf32>
    %get3A_15 = arith.constant 0 : index
    %get3A_16 = arith.constant 0 : index
    %get3A_17 = vector.load %arg3[%get3A_15, %get3A_16] : memref<16x16xf32, #tpu.memory_space<vmem>>, vector<16x16xf32>
    %dot_general3A = arith.constant dense<0.000000e+00> : vector<512x16xf32>
    %dot_general3A_18 = tpu.matmul %convert_element_type3A_14, %get3A_17, %dot_general3A {dimension_numbers = #tpu.dot_dimension_numbers<[1], [0], [0], [1], [0, 0, 1, 1], [], []>, transpose_lhs_hint = false} : vector<512x16xf32>, vector<16x16xf32>, vector<512x16xf32> -> vector<512x16xf32>
    %get3A_19 = arith.constant 0 : index
    %get3A_20 = arith.constant 0 : index
    %get3A_21 = vector.load %arg1[%get3A_19, %get3A_20] : memref<512x64xf32, #tpu.memory_space<vmem>>, vector<512x64xf32>
    %get3A_22 = arith.constant 0 : index
    %get3A_23 = arith.constant 0 : index
    %get3A_24 = vector.load %arg4[%get3A_22, %get3A_23] : memref<512x32xf32, #tpu.memory_space<vmem>>, vector<512x32xf32>
    %concatenate3A = tpu.concatenate %get3A_21, %dot_general3A_18, %get3A_24 in 1 : vector<512x64xf32>, vector<512x16xf32>, vector<512x32xf32> -> vector<512x112xf32>
    %dot_general3A_25 = arith.constant dense<0.000000e+00> : vector<512x112xf32>
    %dot_general3A_26 = tpu.matmul %select_n3A, %concatenate3A, %dot_general3A_25 {dimension_numbers = #tpu.dot_dimension_numbers<[0], [0], [1], [1], [0, 1, 1, 1], [], []>, transpose_lhs_hint = false} : vector<512x512xf32>, vector<512x112xf32>, vector<512x112xf32> -> vector<512x112xf32>
    %div3A = vector.broadcast %transpose3A : vector<512x1xf32> to vector<512x112xf32>
    %div3A_27 = arith.divf %dot_general3A_26, %div3A : vector<512x112xf32>
    %get3A_28 = arith.constant 0 : index
    %get3A_29 = arith.constant 0 : index
    %get3A_30 = vector.load %arg5[%get3A_28, %get3A_29] : memref<112x128xf32, #tpu.memory_space<vmem>>, vector<112x128xf32>
    %dot_general3A_31 = arith.constant dense<0.000000e+00> : vector<512x128xf32>
    %dot_general3A_32 = tpu.matmul %div3A_27, %get3A_30, %dot_general3A_31 {dimension_numbers = #tpu.dot_dimension_numbers<[1], [0], [0], [1], [0, 0, 1, 1], [], []>, transpose_lhs_hint = false} : vector<512x112xf32>, vector<112x128xf32>, vector<512x128xf32> -> vector<512x128xf32>
    %get3A_33 = arith.constant 0 : index
    %get3A_34 = arith.constant 0 : index
    %get3A_35 = vector.load %arg6[%get3A_33, %get3A_34] : memref<1x128xf32, #tpu.memory_space<vmem>>, vector<1x128xf32>
    %add3A = vector.broadcast %get3A_35 : vector<1x128xf32> to vector<512x128xf32>
    %add3A_36 = arith.addf %dot_general3A_32, %add3A : vector<512x128xf32>
    %max3A_37 = arith.constant 0.000000e+00 : f32
    %max3A_38 = vector.broadcast %max3A_37 : f32 to vector<512x128xf32>
    %max3A_39 = arith.maximumf %add3A_36, %max3A_38 : vector<512x128xf32>
    %dot_general3A_40 = arith.constant dense<0.000000e+00> : vector<512x128xf32>
    %dot_general3A_41 = tpu.matmul %select_n3A, %max3A_39, %dot_general3A_40 {dimension_numbers = #tpu.dot_dimension_numbers<[0], [0], [1], [1], [0, 1, 1, 1], [], []>, transpose_lhs_hint = false} : vector<512x512xf32>, vector<512x128xf32>, vector<512x128xf32> -> vector<512x128xf32>
    %div3A_42 = vector.broadcast %transpose3A : vector<512x1xf32> to vector<512x128xf32>
    %div3A_43 = arith.divf %dot_general3A_41, %div3A_42 : vector<512x128xf32>
    %get3A_44 = arith.constant 0 : index
    %get3A_45 = arith.constant 0 : index
    %get3A_46 = vector.load %arg7[%get3A_44, %get3A_45] : memref<128x128xf32, #tpu.memory_space<vmem>>, vector<128x128xf32>
    %dot_general3A_47 = arith.constant dense<0.000000e+00> : vector<512x128xf32>
    %dot_general3A_48 = tpu.matmul %div3A_43, %get3A_46, %dot_general3A_47 {dimension_numbers = #tpu.dot_dimension_numbers<[1], [0], [0], [1], [0, 0, 1, 1], [], []>, transpose_lhs_hint = false} : vector<512x128xf32>, vector<128x128xf32>, vector<512x128xf32> -> vector<512x128xf32>
    %get3A_49 = arith.constant 0 : index
    %get3A_50 = arith.constant 0 : index
    %get3A_51 = vector.load %arg8[%get3A_49, %get3A_50] : memref<1x128xf32, #tpu.memory_space<vmem>>, vector<1x128xf32>
    %add3A_52 = vector.broadcast %get3A_51 : vector<1x128xf32> to vector<512x128xf32>
    %add3A_53 = arith.addf %dot_general3A_48, %add3A_52 : vector<512x128xf32>
    %max3A_54 = arith.constant 0.000000e+00 : f32
    %max3A_55 = vector.broadcast %max3A_54 : f32 to vector<512x128xf32>
    %max3A_56 = arith.maximumf %add3A_53, %max3A_55 : vector<512x128xf32>
    %reduce_sum3A_57 = arith.constant dense<0.000000e+00> : vector<128xf32>
    %reduce_sum3A_58 = vector.multi_reduction <add>, %max3A_56, %reduce_sum3A_57 [0] : vector<512x128xf32> to vector<128xf32>
    %broadcast_in_dim3A_59 = vector.shape_cast %reduce_sum3A_58 : vector<128xf32> to vector<1x128xf32>
    %div3A_60 = arith.constant 5.120000e+02 : f32
    %div3A_61 = vector.broadcast %div3A_60 : f32 to vector<1x128xf32>
    %div3A_62 = arith.divf %broadcast_in_dim3A_59, %div3A_61 : vector<1x128xf32>
    %get3A_63 = arith.constant 0 : index
    %get3A_64 = arith.constant 0 : index
    %get3A_65 = vector.load %arg9[%get3A_63, %get3A_64] : memref<128x8xf32, #tpu.memory_space<vmem>>, vector<128x8xf32>
    %dot_general3A_66 = arith.constant dense<0.000000e+00> : vector<1x8xf32>
    %dot_general3A_67 = tpu.matmul %div3A_62, %get3A_65, %dot_general3A_66 {dimension_numbers = #tpu.dot_dimension_numbers<[1], [0], [0], [1], [0, 0, 1, 1], [], []>, transpose_lhs_hint = false} : vector<1x128xf32>, vector<128x8xf32>, vector<1x8xf32> -> vector<1x8xf32>
    %get3A_68 = arith.constant 0 : index
    %get3A_69 = arith.constant 0 : index
    %get3A_70 = vector.load %arg10[%get3A_68, %get3A_69] : memref<1x8xf32, #tpu.memory_space<vmem>>, vector<1x8xf32>
    %add3A_71 = arith.addf %dot_general3A_67, %get3A_70 : vector<1x8xf32>
    %swap3A_72 = arith.constant 0 : index
    %swap3A_73 = arith.constant 0 : index
    %swap3A_74 = vector.load %arg11[%swap3A_72, %swap3A_73] : memref<1x8xf32, #tpu.memory_space<vmem>>, vector<1x8xf32>
    tpu.vector_store %arg11[%swap3A_72, %swap3A_73], %add3A_71 {strides = array<i32>} : memref<1x8xf32, #tpu.memory_space<vmem>>, vector<1x8xf32>,
    return
  }
}

</mosaic_0001>

<sc_bundles>
// kernel: kernel.4.cloned.1.call-start
scs
__scs_entry_jumppad:
0x0: {  	(pc) =	sbr.rel $0x88, $3  }
0x1: {  	(tag) =	ssettag $0x0;
	lr =	simm.s32 $0x1  }
0x2: {  	[smem:$0x3F95] =	sst lr;
	_ =	strace $0xD0000000  }
0x3: {  	_ = 	snop  }
0x4: {  	_ = 	snop  }
0x5: {  	_ = 	snop  }
0x6: {  	_ = 	snop  }
0x7: {  	_ = 	snop  }
__scs_overlays_trampoline_lowered:
0x8: {  	[smem:$0x3FA4] =	sst s0  }
0x9: {  	[smem:$0x3FA5] =	sst s1  }
0xa: {  	[smem:$0x3FA6] =	sst s2  }
0xb: {  	[smem:$0x3FA7] =	sst s3  }
0xc: {  	[smem:$0x3FA8] =	sst s4  }
0xd: {  	[smem:$0x3FA9] =	sst s5  }
0xe: {  	[smem:$0x3FAA] =	sst s6  }
0xf: {  	[smem:$0x3FAB] =	sst s7  }
0x10: {  	[smem:$0x3FAC] =	sst s8  }
0x11: {  	[smem:$0x3FAD] =	sst s9;
	s0 =	simm.s32 @!p0 $0x0  }
0x12: {  	s1 =	sld [smem:$0x3F93];
	s0 =	simm.s32 @p0 $0x1  }
0x13: {  	[smem:$0x3FAE] =	sst s0;
	s0 =	simm.s32 @!p1 $0x0  }
0x14: {  	s2 =	sld [smem:$0x3F92];
	s0 =	simm.s32 @p1 $0x1  }
0x15: {  	[smem:$0x3FAF] =	sst s0;
	s0 =	simm.s32 @!p2 $0x0  }
0x16: {  	s3 =	sld [smem:$0x3FDB];
	s0 =	simm.s32 @p2 $0x1  }
0x17: {  	s4 =	simm.s32 $0x1BF5;
	[smem:$0x3FB1] =	sst s0  }
0x18: {  	s0 =	sld [smem:$0x3F94];
	_ =	swait.ge [sflag:s4], $0x0  }
0x19: {  	s7 =	sld [smem:$0x3F95]  }
0x1a: {  	s8 =	sadd.s32 $0xFFFFE003, lr  }
0x1b: {  	s9 =	sadd.s32 $0xFFFFFEF7, lr;
	s5 =	simm.s32 $0xFFFFFFFF;
	p2 =	slt.u32 s8, $0xFFFFF086  }
0x1c: {  	p1 =	slt.u32 s9, $0xF7A;
	s5 =	simm.s32 @!p2 $0x0  }
0x1d: {  	s5 =	simm.s32 @p1 $0x1;
	p0 =	seq.s32 s7, s2  }
0x1e: {  	s7 =	smul.u32 @!p0 $0xF7A, s2;
	p2 =	seq.s32 @!p0 s5, $0x0  }
0x1f: {  	s9 =	smul.u32 $0xF7A, s1;
	s8 =	simm.s32 @!p0 $0x1BF5;
	p2 =	por !p2, p0  }
0x20: {  	[sflag:s8] =	ssyncset.s32 @!p0 $0xFFFFF086;
	s6 =	sadd.s32 @!p0 s3, s7;
	s7 =	simm.s32 @!p0 $0x108  }
0x21: {  	s3 =	sadd.s32 s3, s9;
	s6 =	sadd.s32 @!p0 $0x88, s6;
	s7 =	simm.s32 @p2 $0x1082  }
0x22: {  	[simem:s7], [sflag:s8] =	dma.local @!p0 [hbm:s6], $0xF7A  }
0x23: {  	s9 =	sor.u32 $0xD0000000, s2;
	s6 =	simm.s32 $0x108;
	_ =	swait.ge @!p0 [sflag:s8], $0x0  }
0x24: {  	s3 =	sadd.s32 $0x88, s3;
	s6 =	simm.s32 @!p1 $0x1082;
	[sflag:s4] =	ssyncset.s32 $0xFFFFF086  }
0x25: {  	[simem:s6], [sflag:s4] =	dma.local [hbm:s3], $0xF7A  }
0x26: {  	[smem:$0x3F95] =	sst s1;
	(tag) =	ssettag s2;
	_ =	strace s9  }
0x27: {  	s1 =	sld [smem:$0x3FA5]  }
0x28: {  	s2 =	sld [smem:$0x3FA6]  }
0x29: {  	s4 =	sld [smem:$0x3FA8]  }
0x2a: {  	p0 =	seq.s32 s5, $0x0;
	s5 =	sld [smem:$0x3FA9]  }
0x2b: {  	s6 =	sld [smem:$0x3FAA]  }
0x2c: {  	s7 =	sld [smem:$0x3FAB]  }
0x2d: {  	s3 =	simm.s32 $0x108;
	s8 =	sld [smem:$0x3FAC]  }
0x2e: {  	s3 =	simm.s32 @!p0 $0x1082;
	s9 =	sld [smem:$0x3FAD]  }
0x2f: {  	lr =	sadd.s32 s0, s3;
	s0 =	sld [smem:$0x3FA4]  }
0x30: {  	s3 =	sld [smem:$0x3FA7]  }
0x31: {  	[smem:$0x3FB0] =	sst s10  }
0x32: {  	s10 =	sld [smem:$0x3FAE];
	_ =	sdelay $0x3  }
0x33: {  	p0 =	seq.s32 s10, $0x1;
	s10 =	sld [smem:$0x3FB0];
	_ =	sdelay $0x3  }
0x34: {  	[smem:$0x3FB0] =	sst s10  }
0x35: {  	s10 =	sld [smem:$0x3FAF];
	_ =	sdelay $0x3  }
0x36: {  	p1 =	seq.s32 s10, $0x1;
	s10 =	sld [smem:$0x3FB0];
	_ =	sdelay $0x3  }
0x37: {  	[smem:$0x3FB0] =	sst s10  }
0x38: {  	s10 =	sld [smem:$0x3FB1]  }
0x39: {  	_ = 	snop;
	(pc) =	sbr.ind lr, $3  }
0x3a: {  	_ = 	snop  }
0x3b: {  	_ = 	snop  }
0x3c: {  	p2 =	seq.s32 s10, $0x1;
	s10 =	sld [smem:$0x3FB0]  }
0x3d: {  	_ =	shalt  }
0x3e: {  	_ =	shalt  }
0x3f: {  	_ =	shalt  }
0x40: {  	_ =	shalt  }
0x41: {  	_ =	shalt  }
0x42: {  	_ =	shalt  }
0x43: {  	_ =	shalt  }
0x44: {  	_ =	shalt  }
0x45: {  	_ =	shalt  }
0x46: {  	_ =	shalt  }
0x47: {  	_ =	shalt  }
0x48: {  	_ =	shalt  }
0x49: {  	_ =	shalt  }
0x4a: {  	_ =	shalt  }
0x4b: {  	_ =	shalt  }
0x4c: {  	_ =	shalt  }
0x4d: {  	_ =	shalt  }
0x4e: {  	_ =	shalt  }
0x4f: {  	_ =	shalt  }
0x50: {  	_ =	shalt  }
0x51: {  	_ =	shalt  }
0x52: {  	_ =	shalt  }
0x53: {  	_ =	shalt  }
0x54: {  	_ =	shalt  }
0x55: {  	_ =	shalt  }
0x56: {  	_ =	shalt  }
0x57: {  	_ =	shalt  }
0x58: {  	_ =	shalt  }
0x59: {  	_ =	shalt  }
0x5a: {  	_ =	shalt  }
0x5b: {  	_ =	shalt  }
0x5c: {  	_ =	shalt  }
0x5d: {  	_ =	shalt  }
0x5e: {  	_ =	shalt  }
0x5f: {  	_ =	shalt  }
0x60: {  	_ =	shalt  }
0x61: {  	_ =	shalt  }
0x62: {  	_ =	shalt  }
0x63: {  	_ =	shalt  }
0x64: {  	_ =	shalt  }
0x65: {  	_ =	shalt  }
0x66: {  	_ =	shalt  }
0x67: {  	_ =	shalt  }
0x68: {  	_ =	shalt  }
0x69: {  	_ =	shalt  }
0x6a: {  	_ =	shalt  }
0x6b: {  	_ =	shalt  }
0x6c: {  	_ =	shalt  }
0x6d: {  	_ =	shalt  }
0x6e: {  	_ =	shalt  }
0x6f: {  	_ =	shalt  }
0x70: {  	_ =	shalt  }
0x71: {  	_ =	shalt  }
0x72: {  	_ =	shalt  }
0x73: {  	_ =	shalt  }
0x74: {  	_ =	shalt  }
0x75: {  	_ =	shalt  }
0x76: {  	_ =	shalt  }
0x77: {  	_ =	shalt  }
0x78: {  	_ =	shalt  }
0x79: {  	_ =	shalt  }
0x7a: {  	_ =	shalt  }
0x7b: {  	_ =	shalt  }
0x7c: {  	_ =	shalt  }
0x7d: {  	_ =	shalt  }
0x7e: {  	_ =	shalt  }
0x7f: {  	_ =	shalt  }
0x80: {  	_ =	shalt  }
0x81: {  	_ =	shalt  }
0x82: {  	_ =	shalt  }
0x83: {  	_ =	shalt  }
0x84: {  	_ =	shalt  }
0x85: {  	_ =	shalt  }
0x86: {  	_ =	shalt  }
0x87: {  	_ =	shalt  }
.Lfunc_end0:
.L_simem_size_0:
called_computation_lowered:
.L_overlay_start_0:
0x88: {  	s0 =	sld [smem:$0x3FD9]  }
0x89: {  	s1 =	sld [smem:$0x3FFE];
	_ =	sdelay $0x3  }
0x8a: {  	s0 =	sadd.s32 s1, s0  }
0x8b: {  	[smem:$0x3FBC] =	sst s0  }
0x8c: {  	_ = 	snop  }
0x8d: {  	s0 =	sld [smem:$0x3FD0];
	_ =	sdelay $0x2  }
0x8e: {  	s2 =	simm.s32 $0xA;
	s3 =	simm.s32 $0x10;
	s13 =	sld [smem:$0x3FC8]  }
0x8f: {  	[smem:s3], [sflag:s2] =	dma.local [hbm:s0], $0x1  }
0x90: {  	_ =	swait.eq [sflag:s2], $0x1  }
0x91: {  	[sflag:s2] =	ssyncset.done $0x0  }
0x92: {  	[sflag:s2] =	ssyncadd.s32 $0xFFFFFFFF  }
0x93: {  	s14 =	sld [smem:$0x11];
	(tm) =	ssettm $0x1  }
0x94: {  	s15 =	sld [smem:$0x3FFB];
	_ =	sdelay $0x3  }
0x95: {  	_ =	strace s15  }
0x96: {  	s2 =	sld [smem:$0x3FFC];
	_ =	sdelay $0x3  }
0x97: {  	_ =	strace s2  }
0x98: {  	s2 =	sld [smem:$0x3FFD];
	_ =	sdelay $0x3  }
0x99: {  	_ =	strace s2  }
0x9a: {  	_ =	strace $0x8FFFFFFF  }
0x9b: {  	s16 =	sld [smem:$0x3FDB];
	_ =	sdelay $0x1  }
0x9c: {  	s17 =	simm.s32 $_scs_section_size  }
0x9d: {  	s4 =	simm.s32 $_size__tile_overlayer_lowered;
	s5 =	simm.s32 $_tile_overlayer_lowered  }
0x9e: {  	s20 =	simm.s32 $0x1BFF;
	s19 =	sshll.u32 s5, $0x1;
	s2 =	sadd.s32 s17, s16  }
0x9f: {  	s6 =	simm.s32 $0x0;
	s18 =	sshll.u32 s4, $0x1;
	s4 =	sadd.s32 s19, s2  }
0xa0: {  	[timem:s6], [sflag:s20] =	dma.local [hbm:s4], s18  }
0xa1: {  	_ =	swait.ge [sflag:s20], s18  }
0xa2: {  	s3 =	ssub.s32 $0x0, s18;
	[sflag:s20] =	ssyncset.done $0x0  }
0xa3: {  	[sflag:s20] =	ssyncadd.s32 s3;
	_ =	sdelay $0x1  }
0xa4: {  	s21 =	simm.s32 $0x1B8B  }
0xa5: {  	_ =	swait.ge [sflag:s21], $0x1  }
0xa6: {  	[sflag:s21] =	ssyncset.done $0x0  }
0xa7: {  	s23 =	simm.s32 $0x1B8E;
	s22 =	sld [smem:$0x3FFE];
	[sflag:s21] =	ssyncadd.s32 $0xFFFFFFFF  }
0xa8: {  	s24 =	simm.s32 $execute0_lowered;
	[smem:$0x3FD2] =	sst s23  }
0xa9: {  	s4 =	sshll.u32 s24, $0x1;
	_ =	strace $0x80000046;
	[dreg:$0x1] =	wrdreg $0xFFFFFFFF  }
0xaa: {  	s25 =	simm.s32 $_size_execute0_lowered;
	s2 =	sadd.s32 s2, s4;
	[dreg:$0x0] =	wrdreg $0x0  }
0xab: {  	s4 =	sshll.u32 s25, $0x1;
	[dreg:$0x2] =	wrdreg s2  }
0xac: {  	[dreg:$0x3] =	wrdreg s4  }
0xad: {  	[dreg:$0x4] =	wrdreg $0xC0  }
0xae: {  	_ =	task [dreg:s6], $0x5FFFF  }
0xaf: {  	[dreg:$0x1] =	wrdreg $0xFFFFFFFF  }
0xb0: {  	[dreg:$0x0] =	wrdreg $0x60  }
0xb1: {  	[dreg:$0x2] =	wrdreg s22  }
0xb2: {  	[dreg:$0x3] =	wrdreg s13  }
0xb3: {  	[dreg:$0x4] =	wrdreg s14  }
0xb4: {  	[dreg:$0x5] =	wrdreg $0x9  }
0xb5: {  	_ =	task.clear_ibuf [dreg:s6], $0x6FFFF;
	_ =	strace $0x90000046  }
0xb6: {  	s26 =	simm.s32 $0x9;
	_ =	strace $0x80000048  }
0xb7: {  	_ =	swait.ge [sflag:s26], $0x1  }
0xb8: {  	[sflag:s26] =	ssyncadd.s32 $0xFFFFFFFF  }
0xb9: {  	_ =	strace $0x90000048  }
0xba: {  	_ =	sfence  }
0xbb: {  	s28 =	sld [smem:$0x0];
	_ =	sdelay $0x1  }
0xbc: {  	s29 =	srdreg.scid  }
0xbd: {  	s30 =	sshll.u32 s29, $0xD;
	s31 =	sshrl.u32 s29, $0x2  }
0xbe: {  	s1 =	sand.u32 $0x1, s29;
	s2 =	sand.u32 $0x4000, s30;
	s0 =	sadd.s32 s31, s28  }
0xbf: {  	s1 =	sor.u32 s2, s1;
	s0 =	sshll.u32 s0, $0x11  }
0xc0: {  	s0 =	sor.u32 s0, s1  }
0xc1: {  	s0 =	sadd.s32 $0x8F2B, s0  }
0xc2: {  	[sflag:s0] =	ssyncadd.remote.s32 $0x1  }
0xc3: {  	_ =	sfence.sel $0xFFFF  }
0xc4: {  	[dreg:$0x0] =	wrdreg $0xFFFFFFFF;
	(pc) =	sbr.abs _section_cstart, $3  }
0xc5: {  	[dreg:$0x1] =	wrdreg $0xFFFFFFFF  }
0xc6: {  	_ =	task.clear_ibuf [dreg:s6], $0x2FFFF;
	_ =	strace $0x9FFFFFFF  }
0xc7: {  	(tm) =	ssettm $0x7FFFFFFF  }
tec
execute0_lowered:
.L_overlay_start_1:
0x0: {  	(tag) =	ssettag $0x1  }
0x1: {  	s0 =	rddreg [dreg:$0x0]  }
0x2: {  	s1 =	rddreg [dreg:$0x1]  }
0x3: {  	s2 =	rddreg [dreg:$0x2]  }
0x4: {  	s3 =	rddreg [dreg:$0x3];
	s4 =	simm.s32 $0x0;
	s5 =	stileid.u32  }
0x5: {  	[smem:$0x7FF] =	sst s4;
	s6 =	sshll.u32 s5, $0x2  }
0x6: {  	s29 =	simm.s32 $0x2;
	_ =	strace $0x80000047;
	s1 =	sadd.s32 s1, s6  }
0x7: {  	[tilespmem:s4], [sflag:$0x2] =	stream.linear.gather [hbm4b:s1+s4], $0x20, $0x38;
	[tilespmem:$0x820] =	vst v63  }
0x8: {  	_ =	swait.ge [sflag:s29], $0x20  }
0x9: {  	s30 =	simm.s32 $0x20;
	[sflag:s29] =	ssyncset.done $0x0  }
0xa: {  	s31 =	simm.s32 $0x1;
	s0 =	sadd.s32 $0x1800, s0;
	[sflag:s29] =	ssyncadd.s32 $0xFFFFFFE0  }
0xb: {  	[tilespmem:s30], [sflag:$0x1] =	stream.indirect.gather [hbm4b:s0+s30], $0x40, s4, s30, $0xb8;
	[tilespmem:$0x820] =	vst v63  }
0xc: {  	_ =	swait.ge [sflag:s31], $0x800  }
0xd: {  	s7 =	sshll.u32 s5, $0x8;
	[sflag:s31] =	ssyncset.done $0x0  }
0xe: {  	s2 =	sadd.s32 s2, s7;
	[sflag:s31] =	ssyncadd.s32 $0xFFFFF800  }
0xf: {  	[hbm4b:s2+s4] =	stream.linear.scatter [tilespmem:s30], [sflag:$0x2], $0x800, $0x38;
	[tilespmem:$0x820] =	vst v63  }
0x10: {  	_ =	swait.ge [sflag:s29], $0x800  }
0x11: {  	[sflag:s29] =	ssyncset.done $0x0  }
0x12: {  	[sflag:s29] =	ssyncadd.s32 $0xFFFFF800  }
0x13: {  	_ =	sfence.sel $0x180000  }
0x14: {  	[bflag:$0x0] =	sbarrier.arrive $0xFFFF  }
0x15: {  	p0 =	sne.s32 s5, $0x0;
	_ =	strace $0x90000047  }
0x16: {  	s0 =	sadd.s32 @!p0 $0x100000, s3;
	[bflag:$0x2] =	sbarrier.arrive $0xFFFF  }
0x17: {  	[sflag:s0] =	ssyncadd.tile.s32 @!p0 $0x1;
	_ =	shalt  }
.Lfunc_end2:
_tile_overlayer_lowered:
.L_overlay_start_2:
0x18: {  	(tag) =	ssettag $0x2  }
0x19: {  	s0 =	rddreg [dreg:$0x0];
	s2 =	stileid.u32  }
0x1a: {  	s1 =	rddreg [dreg:$0x1];
	p0 =	sne.s32 s2, $0x0  }
0x1b: {  	s3 =	rddreg [dreg:$0x2];
	[bflag:$0x3] =	sbarrier.arrive $0xFFFF;
	s2 =	simm.s32 @!p0 $0x1C02  }
0x1c: {  	[timem:s3], [sflag:s2] =	dma.local @!p0 [hbm:s0], s1  }
0x1d: {  	s0 =	simm.s32 @!p0 $0x2  }
0x1e: {  	_ =	swait.ge @!p0 [sflag:s0], s1  }
0x1f: {  	s1 =	ssub.s32 @!p0 $0x0, s1;
	[sflag:s0] =	ssyncset.done @!p0 $0x0  }
0x20: {  	[sflag:s0] =	ssyncadd.s32 @!p0 s1  }
0x21: {  	[bflag:$0x3] =	sbarrier.arrive $0xFFFF  }
0x22: {  	_ =	shalt  }

</sc_bundles>
